<compile_context>
chip_gen: v7x
topology: tpu7x:2x2x1
jax: 0.10.2.dev20260603
libtpu: 0.0.44.dev20260713+nightly
codegen_flags: <defaults>
</compile_context>

<pallas_src>
import functools

import jax
import jax.numpy as jnp
from jax import lax
from jax.experimental import pallas as pl
from jax.experimental.pallas import tpu as pltpu
from jax.experimental.pallas import tpu_sc as plsc

C = 32
D = 512
N = 250
K = 4
SIGMA = 0.05
NPAD = 256
HIST = D * K
HISTP = HIST + 16
L = 16


def _tc_body(xr_ref, xc_ref, noise_hbm, gidx_ref, rank_ref, nbuf, sems):
    cstep = pl.program_id(0)
    slot = lax.rem(cstep, 2)
    nxt = lax.rem(cstep + 1, 2)

    @pl.when(cstep == 0)
    def _():
        pltpu.make_async_copy(noise_hbm.at[0], nbuf.at[0], sems.at[0]).start()

    @pl.when(cstep + 1 < C)
    def _():
        pltpu.make_async_copy(
            noise_hbm.at[cstep + 1], nbuf.at[nxt], sems.at[nxt]).start()

    x_row = xr_ref[0]
    x_col = xc_ref[0]
    ii = lax.broadcasted_iota(jnp.int32, (D, D), 0)
    jj = lax.broadcasted_iota(jnp.int32, (D, D), 1)

    m = (x_row > x_col) | ((x_row == x_col) & (jj < ii))
    rank_col = jnp.sum(m.astype(jnp.int32), axis=1, keepdims=True)
    rank_ref[0] = rank_col

    a2 = (rank_col == jj).astype(jnp.float32)
    x_sorted_row = jnp.sum(a2 * x_col, axis=0, keepdims=True)

    pltpu.make_async_copy(
        noise_hbm.at[cstep], nbuf.at[slot], sems.at[slot]).wait()
    noisy = nbuf[slot] * SIGMA + x_sorted_row
    neg = jnp.float32(-jnp.inf)
    iota_f = lax.broadcasted_iota(jnp.int32, (N, D), 1).astype(jnp.float32)
    idxs = []
    for _ in range(K):
        mx = jnp.max(noisy, axis=1, keepdims=True)
        eq = noisy == mx
        amxf = jnp.sum(eq.astype(jnp.float32) * iota_f,
                       axis=1, keepdims=True)
        idxs.append(amxf.astype(jnp.int32))
        noisy = jnp.where(eq, neg, noisy)

    a, b, c, d = idxs
    a, b = jnp.minimum(a, b), jnp.maximum(a, b)
    c, d = jnp.minimum(c, d), jnp.maximum(c, d)
    a, c = jnp.minimum(a, c), jnp.maximum(a, c)
    b, d = jnp.minimum(b, d), jnp.maximum(b, d)
    b, c = jnp.minimum(b, c), jnp.maximum(b, c)

    pad = jnp.full((NPAD - N, K), HIST, jnp.int32)
    flat = jnp.concatenate(
        [a * K + 0, b * K + 1, c * K + 2, d * K + 3], axis=1)
    gidx_ref[0] = jnp.concatenate([flat, pad], axis=0)


def _tc_stage(x, noise):
    return pl.pallas_call(
        _tc_body,
        grid=(C,),
        in_specs=[
            pl.BlockSpec((1, 1, D), lambda c: (c, 0, 0)),
            pl.BlockSpec((1, D, 1), lambda c: (c, 0, 0)),
            pl.BlockSpec(memory_space=pl.ANY),
        ],
        scratch_shapes=[
            pltpu.VMEM((2, N, D), jnp.float32),
            pltpu.SemaphoreType.DMA((2,)),
        ],
        out_specs=[
            pl.BlockSpec((1, NPAD, K), lambda c: (c, 0, 0)),
            pl.BlockSpec((1, D, 1), lambda c: (c, 0, 0)),
        ],
        out_shape=[
            jax.ShapeDtypeStruct((C, NPAD, K), jnp.int32),
            jax.ShapeDtypeStruct((C, D, 1), jnp.int32),
        ],
    )(x.reshape(C, 1, D), x.reshape(C, D, 1), noise)


def _sc_kernel(gidx_hbm, rank_hbm, y_hbm, sel_v, rank_v, hist_v, out_v, sem):
    del sem
    nc = plsc.get_sparse_core_info().num_cores
    cid = lax.axis_index("s") * nc + lax.axis_index("c")
    pltpu.sync_copy(gidx_hbm.at[cid], sel_v)
    pltpu.sync_copy(rank_hbm.at[cid], rank_v)

    lanes = lax.broadcasted_iota(jnp.int32, (L,), 0)
    zeros = jnp.zeros((L,), jnp.float32)
    ones = jnp.ones((L,), jnp.float32)

    def zero_body(i, _):
        hist_v[pl.ds(i * L, L)] = zeros
        return 0
    lax.fori_loop(0, HISTP // L, zero_body, 0)

    def scat_body(i, _):
        plsc.addupdate_scatter(hist_v, [sel_v[pl.ds(i * L, L)]], ones)
        return 0
    lax.fori_loop(0, (NPAD * K) // L, scat_body, 0)

    inv_n = jnp.float32(1.0 / N)
    jrep = lanes // K
    krep = lanes % K

    def gat_body(i, _):
        r = plsc.load_gather(rank_v, [i * (L // K) + jrep])
        vals = plsc.load_gather(hist_v, [r * K + krep])
        out_v[pl.ds(i * L, L)] = vals * inv_n
        return 0
    lax.fori_loop(0, (D * K) // L, gat_body, 0)

    pltpu.sync_copy(out_v, y_hbm.at[cid])


def _sc_stage(gidx, rank):
    mesh = plsc.VectorSubcoreMesh(core_axis_name="c", subcore_axis_name="s")
    run = pl.kernel(
        _sc_kernel,
        out_type=jax.ShapeDtypeStruct((C, D * K), jnp.float32),
        mesh=mesh,
        scratch_types=[
            pltpu.VMEM((NPAD * K,), jnp.int32),
            pltpu.VMEM((D,), jnp.int32),
            pltpu.VMEM((HISTP,), jnp.float32),
            pltpu.VMEM((D * K,), jnp.float32),
            pltpu.SemaphoreType.DMA,
        ],
        compiler_params=pltpu.CompilerParams(needs_layout_passes=False),
    )
    return run(gidx.reshape(C, NPAD * K), rank.reshape(C, D))


def kernel(x, noise):
    gidx, rank = _tc_stage(x, noise)
    y = _sc_stage(gidx, rank)
    return y.reshape(C, D, K)

# --- scband reference (transcript-rebuilt; emitter-appended) ---
"""Pipeline reference for scband-list-gen-ann-47382079209946 (READ-ONLY COPY).

The authoritative reference and input builder live on the scoring server;
editing this copy changes nothing except your own understanding.
"""

import jax, jax.numpy as jnp
import numpy as np

C = 32
D = 512
N = 250
K = 4
SIGMA = 0.05


def setup_inputs(seed: int = 0) -> dict:
    key = jax.random.key(seed)
    k1, k2 = jax.random.split(key)
    x = jax.random.normal(k1, (C, D), dtype=jnp.float32)
    noise = jax.random.normal(k2, (C, N, D), dtype=jnp.float32)
    return {"x": x, "noise": noise}


def reference(x, noise):
    # Faithful JAX port of SoftArgMaxSingle.forward (the perturbed top-K masking core
    # of ListGen_ANN, whose forward was truncated). Output: y_eps_star [C, d, K].
    Cb, d = x.shape
    # torch.sort(x, dim=1, descending=True)
    order = jnp.argsort(-x, axis=1)                      # x_ind
    x_sorted = jnp.take_along_axis(x, order, axis=1)
    # _, x_ind_inv = torch.sort(x_ind, dim=1)
    x_ind_inv = jnp.argsort(order, axis=1)
    # noisy_vector = noise * sigma + x.view(C, 1, d)
    noisy = noise * SIGMA + x_sorted[:, None, :]
    # _, arg_locs = torch.topk(noisy_vector, k=K, dim=2); sort ascending
    _, arg_locs = jax.lax.top_k(noisy, K)
    arg_locs = jnp.sort(arg_locs, axis=2)                # [C, N, K]
    # scatter ones into one_hot[C, N, d, K]
    one_hot = jnp.zeros((Cb, N, d, K), dtype=jnp.float32)
    dim0 = jnp.broadcast_to(jnp.arange(Cb)[:, None, None], (Cb, N, K))
    dim1 = jnp.broadcast_to(jnp.arange(N)[None, :, None], (Cb, N, K))
    dim3 = jnp.broadcast_to(jnp.arange(K)[None, None, :], (Cb, N, K))
    one_hot = one_hot.at[dim0, dim1, arg_locs, dim3].set(1.0)
    # y_eps_star = mean over noise samples -> [C, d, K]
    y = jnp.mean(one_hot, axis=1)
    # gather back to original (unsorted) index order along dim 1
    idx = jnp.broadcast_to(x_ind_inv[:, :, None], (Cb, d, K))
    y = jnp.take_along_axis(y, idx, axis=1)
    return y

if __name__ == "__main__":
    import jax
    _d = setup_inputs()
    print(jax.jit(kernel)(*tuple(_d.values())))

</pallas_src>

<mosaic_0001>
#map = affine_map<(d0, d1) -> (0, 0)>
module attributes {stable_mosaic.version = 14 : i64} {
  func.func @_sc_kernel(%arg0: i32, %arg1: i32, %arg2: memref<32x1024xi32, #tpu.memory_space<hbm>>, %arg3: memref<32x512xi32, #tpu.memory_space<hbm>>, %arg4: memref<32x2048xf32, #tpu.memory_space<hbm>>, %arg5: memref<1024xi32, #tpu.memory_space<vmem>>, %arg6: memref<512xi32, #tpu.memory_space<vmem>>, %arg7: memref<2064xf32, #tpu.memory_space<vmem>>, %arg8: memref<2048xf32, #tpu.memory_space<vmem>>, %arg9: memref<!tpu.dma_semaphore, #tpu.memory_space<semaphore_mem>>) attributes {dimension_semantics = [#tpu.dimension_semantics<core_parallel>, #tpu.dimension_semantics<subcore_parallel>], iteration_bounds = array<i64: 2, 16>, scalar_prefetch = 0 : i64, scratch_operands = 5 : i64, tpu.core_type = #tpu.core_type<sc_vector_subcore>, window_params = [{transform_indices = #map}, {transform_indices = #map}, {transform_indices = #map}]} {
    %mul3A = arith.constant 2 : i32
    %mul3A_0 = arith.muli %arg1, %mul3A : i32
    %add3A = arith.addi %mul3A_0, %arg0 : i32
    "tpu.region"() ({
      %run_scoped3A = tpu.sem_alloc : memref<!tpu.dma_semaphore, #tpu.memory_space<semaphore_mem>>
      %dma_start3A = arith.constant 0 : i32
      %dma_start3A_68 = tpu.memref_slice %arg2[%add3A, %dma_start3A] : memref<32x1024xi32, #tpu.memory_space<hbm>> -> memref<1x1024xi32, #tpu.memory_space<hbm>>
      %dma_start3A_69 = tpu.memref_squeeze %dma_start3A_68 : memref<1x1024xi32, #tpu.memory_space<hbm>> -> memref<1024xi32, #tpu.memory_space<hbm>>
      %dma_start3A_70 = arith.constant 0 : i32
      %dma_start3A_71 = tpu.memref_slice %arg2[%add3A, %dma_start3A_70] : memref<32x1024xi32, #tpu.memory_space<hbm>> -> memref<1x1024xi32, #tpu.memory_space<hbm>>
      %dma_start3A_72 = tpu.memref_squeeze %dma_start3A_71 : memref<1x1024xi32, #tpu.memory_space<hbm>> -> memref<1024xi32, #tpu.memory_space<hbm>>
      tpu.enqueue_dma source(%dma_start3A_72 : memref<1024xi32, #tpu.memory_space<hbm>>) target(%arg5 : memref<1024xi32, #tpu.memory_space<vmem>>) target_semaphore(%run_scoped3A : memref<!tpu.dma_semaphore, #tpu.memory_space<semaphore_mem>>)
      %dma_wait3A = arith.constant 0 : i32
      %dma_wait3A_73 = tpu.memref_slice %arg2[%add3A, %dma_wait3A] : memref<32x1024xi32, #tpu.memory_space<hbm>> -> memref<1x1024xi32, #tpu.memory_space<hbm>>
      %dma_wait3A_74 = tpu.memref_squeeze %dma_wait3A_73 : memref<1x1024xi32, #tpu.memory_space<hbm>> -> memref<1024xi32, #tpu.memory_space<hbm>>
      %dma_wait3A_75 = arith.constant 0 : i32
      %dma_wait3A_76 = tpu.memref_slice %arg2[%add3A, %dma_wait3A_75] : memref<32x1024xi32, #tpu.memory_space<hbm>> -> memref<1x1024xi32, #tpu.memory_space<hbm>>
      %dma_wait3A_77 = tpu.memref_squeeze %dma_wait3A_76 : memref<1x1024xi32, #tpu.memory_space<hbm>> -> memref<1024xi32, #tpu.memory_space<hbm>>
      tpu.wait_dma2 semaphore(%run_scoped3A : memref<!tpu.dma_semaphore, #tpu.memory_space<semaphore_mem>>) src(%dma_wait3A_77 : memref<1024xi32, #tpu.memory_space<hbm>>) dst(%arg5 : memref<1024xi32, #tpu.memory_space<vmem>>)
      tpu.yield
    }) : () -> ()
    "tpu.region"() ({
      %run_scoped3A = tpu.sem_alloc : memref<!tpu.dma_semaphore, #tpu.memory_space<semaphore_mem>>
      %dma_start3A = arith.constant 0 : i32
      %dma_start3A_68 = tpu.memref_slice %arg3[%add3A, %dma_start3A] : memref<32x512xi32, #tpu.memory_space<hbm>> -> memref<1x512xi32, #tpu.memory_space<hbm>>
      %dma_start3A_69 = tpu.memref_squeeze %dma_start3A_68 : memref<1x512xi32, #tpu.memory_space<hbm>> -> memref<512xi32, #tpu.memory_space<hbm>>
      %dma_start3A_70 = arith.constant 0 : i32
      %dma_start3A_71 = tpu.memref_slice %arg3[%add3A, %dma_start3A_70] : memref<32x512xi32, #tpu.memory_space<hbm>> -> memref<1x512xi32, #tpu.memory_space<hbm>>
      %dma_start3A_72 = tpu.memref_squeeze %dma_start3A_71 : memref<1x512xi32, #tpu.memory_space<hbm>> -> memref<512xi32, #tpu.memory_space<hbm>>
      tpu.enqueue_dma source(%dma_start3A_72 : memref<512xi32, #tpu.memory_space<hbm>>) target(%arg6 : memref<512xi32, #tpu.memory_space<vmem>>) target_semaphore(%run_scoped3A : memref<!tpu.dma_semaphore, #tpu.memory_space<semaphore_mem>>)
      %dma_wait3A = arith.constant 0 : i32
      %dma_wait3A_73 = tpu.memref_slice %arg3[%add3A, %dma_wait3A] : memref<32x512xi32, #tpu.memory_space<hbm>> -> memref<1x512xi32, #tpu.memory_space<hbm>>
      %dma_wait3A_74 = tpu.memref_squeeze %dma_wait3A_73 : memref<1x512xi32, #tpu.memory_space<hbm>> -> memref<512xi32, #tpu.memory_space<hbm>>
      %dma_wait3A_75 = arith.constant 0 : i32
      %dma_wait3A_76 = tpu.memref_slice %arg3[%add3A, %dma_wait3A_75] : memref<32x512xi32, #tpu.memory_space<hbm>> -> memref<1x512xi32, #tpu.memory_space<hbm>>
      %dma_wait3A_77 = tpu.memref_squeeze %dma_wait3A_76 : memref<1x512xi32, #tpu.memory_space<hbm>> -> memref<512xi32, #tpu.memory_space<hbm>>
      tpu.wait_dma2 semaphore(%run_scoped3A : memref<!tpu.dma_semaphore, #tpu.memory_space<semaphore_mem>>) src(%dma_wait3A_77 : memref<512xi32, #tpu.memory_space<hbm>>) dst(%arg6 : memref<512xi32, #tpu.memory_space<vmem>>)
      tpu.yield
    }) : () -> ()
    %iota3A = tpu.iota {dimensions = array<i32: 0>} : vector<16xi32>
    %broadcast_in_dim3A = arith.constant 0.000000e+00 : f32
    %broadcast_in_dim3A_1 = vector.broadcast %broadcast_in_dim3A : f32 to vector<16xf32>
    %broadcast_in_dim3A_2 = arith.constant 1.000000e+00 : f32
    %broadcast_in_dim3A_3 = vector.broadcast %broadcast_in_dim3A_2 : f32 to vector<16xf32>
    %scan3A = arith.constant 0 : i32
    %scan3A_4 = arith.constant 0 : i32
    %scan3A_5 = arith.constant 129 : i32
    %scan3A_6 = arith.addi %scan3A_4, %scan3A_5 : i32
    %scan3A_7 = arith.constant 1 : i32
    %scan3A_8 = scf.for %scan3A_68 = %scan3A_4 to %scan3A_6 step %scan3A_7 iter_args(%scan3A_69 = %scan3A) -> (i32)  : i32 {
      %mul3A_70 = arith.constant 16 : i32
      %mul3A_71 = arith.muli %scan3A_68, %mul3A_70 : i32
      %swap3A = arith.index_cast %mul3A_71 : i32 to index
      %swap3A_72 = tpu.vector_load %arg7[%swap3A] {strides = array<i32>} : memref<2064xf32, #tpu.memory_space<vmem>>, vector<16xf32>,
      tpu.vector_store %arg7[%swap3A], %broadcast_in_dim3A_1 {strides = array<i32>} : memref<2064xf32, #tpu.memory_space<vmem>>, vector<16xf32>,
      %scan3A_73 = arith.constant 0 : i32
      scf.yield %scan3A_73 : i32
    }
    %scan3A_9 = arith.constant 129 : i32
    %scan3A_10 = arith.constant 0 : i32
    %scan3A_11 = arith.constant 0 : i32
    %scan3A_12 = arith.constant 64 : i32
    %scan3A_13 = arith.addi %scan3A_11, %scan3A_12 : i32
    %scan3A_14 = arith.constant 1 : i32
    %scan3A_15 = scf.for %scan3A_68 = %scan3A_11 to %scan3A_13 step %scan3A_14 iter_args(%scan3A_69 = %scan3A_10) -> (i32)  : i32 {
      %mul3A_70 = arith.constant 16 : i32
      %mul3A_71 = arith.muli %scan3A_68, %mul3A_70 : i32
      %get3A = arith.index_cast %mul3A_71 : i32 to index
      %get3A_72 = tpu.vector_load %arg5[%get3A] {strides = array<i32>} : memref<1024xi32, #tpu.memory_space<vmem>>, vector<16xi32>,
      tpu.vector_store_idx %arg7[%get3A_72], %broadcast_in_dim3A_3 {add = true} : memref<2064xf32, #tpu.memory_space<vmem>>[vector<16xi32>], vector<16xf32>,
      %scan3A_73 = arith.constant 0 : i32
      scf.yield %scan3A_73 : i32
    }
    %scan3A_16 = arith.constant 64 : i32
    %jit3A = arith.constant 4 : i32
    %div3A = vector.broadcast %jit3A : i32 to vector<16xi32>
    %div3A_17 = arith.divsi %iota3A, %div3A : vector<16xi32>
    %sign3A = arith.constant 0 : i32
    %sign3A_18 = vector.broadcast %sign3A : i32 to vector<16xi32>
    %sign3A_19 = arith.cmpi sgt, %iota3A, %sign3A_18 : vector<16xi32>
    %sign3A_20 = arith.extui %sign3A_19 : vector<16xi1> to vector<16xi32>
    %sign3A_21 = arith.constant 0 : i32
    %sign3A_22 = vector.broadcast %sign3A_21 : i32 to vector<16xi32>
    %sign3A_23 = arith.cmpi slt, %iota3A, %sign3A_22 : vector<16xi32>
    %sign3A_24 = arith.extui %sign3A_23 : vector<16xi1> to vector<16xi32>
    %sign3A_25 = arith.subi %sign3A_20, %sign3A_24 : vector<16xi32>
    %sign3A_26 = arith.constant 0 : i32
    %sign3A_27 = arith.cmpi sgt, %jit3A, %sign3A_26 : i32
    %sign3A_28 = arith.extui %sign3A_27 : i1 to i32
    %sign3A_29 = arith.constant 0 : i32
    %sign3A_30 = arith.cmpi slt, %jit3A, %sign3A_29 : i32
    %sign3A_31 = arith.extui %sign3A_30 : i1 to i32
    %sign3A_32 = arith.subi %sign3A_28, %sign3A_31 : i32
    %ne3A = vector.broadcast %sign3A_32 : i32 to vector<16xi32>
    %ne3A_33 = arith.cmpi ne, %sign3A_25, %ne3A : vector<16xi32>
    %rem3A = vector.broadcast %jit3A : i32 to vector<16xi32>
    %rem3A_34 = arith.remsi %iota3A, %rem3A : vector<16xi32>
    %ne3A_35 = arith.constant 0 : i32
    %ne3A_36 = vector.broadcast %ne3A_35 : i32 to vector<16xi32>
    %ne3A_37 = arith.cmpi ne, %rem3A_34, %ne3A_36 : vector<16xi32>
    %and3A = arith.andi %ne3A_33, %ne3A_37 : vector<16xi1>
    %sub3A = arith.constant 1 : i32
    %sub3A_38 = vector.broadcast %sub3A : i32 to vector<16xi32>
    %sub3A_39 = arith.subi %div3A_17, %sub3A_38 : vector<16xi32>
    %select_n3A = arith.select %and3A, %sub3A_39, %div3A_17 : vector<16xi1>, vector<16xi32>
    %jit3A_40 = arith.constant 4 : i32
    %eq3A = arith.constant 0 : i32
    %eq3A_41 = arith.cmpi eq, %jit3A_40, %eq3A : i32
    %jit3A_42 = arith.constant 1 : i32
    %select_n3A_43 = arith.select %eq3A_41, %jit3A_42, %jit3A_40 : i32
    %rem3A_44 = vector.broadcast %select_n3A_43 : i32 to vector<16xi32>
    %rem3A_45 = arith.remsi %iota3A, %rem3A_44 : vector<16xi32>
    %ne3A_46 = arith.constant 0 : i32
    %ne3A_47 = vector.broadcast %ne3A_46 : i32 to vector<16xi32>
    %ne3A_48 = arith.cmpi ne, %rem3A_45, %ne3A_47 : vector<16xi32>
    %lt3A = arith.constant 0 : i32
    %lt3A_49 = vector.broadcast %lt3A : i32 to vector<16xi32>
    %lt3A_50 = arith.cmpi slt, %rem3A_45, %lt3A_49 : vector<16xi32>
    %lt3A_51 = arith.constant 0 : i32
    %lt3A_52 = arith.cmpi slt, %select_n3A_43, %lt3A_51 : i32
    %ne3A_53 = vector.broadcast %lt3A_52 : i1 to vector<16xi1>
    %ne3A_54 = vector.broadcast %ne3A_53 : vector<16xi1> to vector<16xi1>
    %ne3A_55 = arith.xori %lt3A_50, %ne3A_54 : vector<16xi1>
    %and3A_56 = arith.andi %ne3A_55, %ne3A_48 : vector<16xi1>
    %add3A_57 = vector.broadcast %select_n3A_43 : i32 to vector<16xi32>
    %add3A_58 = arith.addi %rem3A_45, %add3A_57 : vector<16xi32>
    %select_n3A_59 = arith.select %and3A_56, %add3A_58, %rem3A_45 : vector<16xi1>, vector<16xi32>
    %scan3A_60 = arith.constant 4.000000e-03 : f32
    %scan3A_61 = arith.constant 0 : i32
    %scan3A_62 = arith.constant 0 : i32
    %scan3A_63 = arith.constant 128 : i32
    %scan3A_64 = arith.addi %scan3A_62, %scan3A_63 : i32
    %scan3A_65 = arith.constant 1 : i32
    %scan3A_66 = scf.for %scan3A_68 = %scan3A_62 to %scan3A_64 step %scan3A_65 iter_args(%scan3A_69 = %scan3A_61) -> (i32)  : i32 {
      %mul3A_70 = arith.constant 4 : i32
      %mul3A_71 = arith.muli %scan3A_68, %mul3A_70 : i32
      %add3A_72 = vector.broadcast %mul3A_71 : i32 to vector<16xi32>
      %add3A_73 = arith.addi %add3A_72, %select_n3A : vector<16xi32>
      %gather3A = tpu.vector_load_idx %arg6[%add3A_73] : memref<512xi32, #tpu.memory_space<vmem>>[vector<16xi32>], vector<16xi32>,
      %mul3A_74 = arith.constant 4 : i32
      %mul3A_75 = vector.broadcast %mul3A_74 : i32 to vector<16xi32>
      %mul3A_76 = arith.muli %gather3A, %mul3A_75 : vector<16xi32>
      %add3A_77 = arith.addi %mul3A_76, %select_n3A_59 : vector<16xi32>
      %gather3A_78 = tpu.vector_load_idx %arg7[%add3A_77] : memref<2064xf32, #tpu.memory_space<vmem>>[vector<16xi32>], vector<16xf32>,
      %mul3A_79 = vector.broadcast %scan3A_60 : f32 to vector<16xf32>
      %mul3A_80 = arith.mulf %gather3A_78, %mul3A_79 : vector<16xf32>
      %mul3A_81 = arith.constant 16 : i32
      %mul3A_82 = arith.muli %scan3A_68, %mul3A_81 : i32
      %swap3A = arith.index_cast %mul3A_82 : i32 to index
      %swap3A_83 = tpu.vector_load %arg8[%swap3A] {strides = array<i32>} : memref<2048xf32, #tpu.memory_space<vmem>>, vector<16xf32>,
      tpu.vector_store %arg8[%swap3A], %mul3A_80 {strides = array<i32>} : memref<2048xf32, #tpu.memory_space<vmem>>, vector<16xf32>,
      %scan3A_84 = arith.constant 0 : i32
      scf.yield %scan3A_84 : i32
    }
    %scan3A_67 = arith.constant 128 : i32
    "tpu.region"() ({
      %run_scoped3A = tpu.sem_alloc : memref<!tpu.dma_semaphore, #tpu.memory_space<semaphore_mem>>
      %dma_start3A = arith.constant 0 : i32
      %dma_start3A_68 = tpu.memref_slice %arg4[%add3A, %dma_start3A] : memref<32x2048xf32, #tpu.memory_space<hbm>> -> memref<1x2048xf32, #tpu.memory_space<hbm>>
      %dma_start3A_69 = tpu.memref_squeeze %dma_start3A_68 : memref<1x2048xf32, #tpu.memory_space<hbm>> -> memref<2048xf32, #tpu.memory_space<hbm>>
      %dma_start3A_70 = arith.constant 0 : i32
      %dma_start3A_71 = tpu.memref_slice %arg4[%add3A, %dma_start3A_70] : memref<32x2048xf32, #tpu.memory_space<hbm>> -> memref<1x2048xf32, #tpu.memory_space<hbm>>
      %dma_start3A_72 = tpu.memref_squeeze %dma_start3A_71 : memref<1x2048xf32, #tpu.memory_space<hbm>> -> memref<2048xf32, #tpu.memory_space<hbm>>
      tpu.enqueue_dma source(%arg8 : memref<2048xf32, #tpu.memory_space<vmem>>) target(%dma_start3A_72 : memref<2048xf32, #tpu.memory_space<hbm>>) target_semaphore(%run_scoped3A : memref<!tpu.dma_semaphore, #tpu.memory_space<semaphore_mem>>)
      %dma_wait3A = arith.constant 0 : i32
      %dma_wait3A_73 = tpu.memref_slice %arg4[%add3A, %dma_wait3A] : memref<32x2048xf32, #tpu.memory_space<hbm>> -> memref<1x2048xf32, #tpu.memory_space<hbm>>
      %dma_wait3A_74 = tpu.memref_squeeze %dma_wait3A_73 : memref<1x2048xf32, #tpu.memory_space<hbm>> -> memref<2048xf32, #tpu.memory_space<hbm>>
      %dma_wait3A_75 = arith.constant 0 : i32
      %dma_wait3A_76 = tpu.memref_slice %arg4[%add3A, %dma_wait3A_75] : memref<32x2048xf32, #tpu.memory_space<hbm>> -> memref<1x2048xf32, #tpu.memory_space<hbm>>
      %dma_wait3A_77 = tpu.memref_squeeze %dma_wait3A_76 : memref<1x2048xf32, #tpu.memory_space<hbm>> -> memref<2048xf32, #tpu.memory_space<hbm>>
      tpu.wait_dma2 semaphore(%run_scoped3A : memref<!tpu.dma_semaphore, #tpu.memory_space<semaphore_mem>>) src(%arg8 : memref<2048xf32, #tpu.memory_space<vmem>>) dst(%dma_wait3A_77 : memref<2048xf32, #tpu.memory_space<hbm>>)
      tpu.yield
    }) : () -> ()
    return
  }
}

module attributes {stable_mosaic.version = 14 : i64} {
  func.func @_tc_body(%arg0: i32, %arg1: memref<1x1x512xf32, #tpu.memory_space<vmem>>, %arg2: memref<1x512x1xf32, #tpu.memory_space<vmem>>, %arg3: memref<32x250x512xf32, #tpu.memory_space<any>>, %arg4: memref<1x256x4xi32, #tpu.memory_space<vmem>>, %arg5: memref<1x512x1xi32, #tpu.memory_space<vmem>>, %arg6: memref<2x250x512xf32, #tpu.memory_space<vmem>>, %arg7: memref<2x!tpu.dma_semaphore, #tpu.memory_space<semaphore_mem>>) attributes {dimension_semantics = [#tpu.dimension_semantics<arbitrary>], iteration_bounds = array<i64: 32>, scalar_prefetch = 0 : i64, scratch_operands = 2 : i64, tpu.core_type = #tpu.core_type<tc>, window_params = [{transform_indices = @transform_0, window_bounds = array<i64: 1, 1, 512>}, {transform_indices = @transform_1, window_bounds = array<i64: 1, 512, 1>}, {}, {transform_indices = @transform_3, window_bounds = array<i64: 1, 256, 4>}, {transform_indices = @transform_4, window_bounds = array<i64: 1, 512, 1>}]} {
    %rem3A = arith.constant 2 : i32
    %rem3A_0 = arith.remsi %arg0, %rem3A : i32
    %add3A = arith.constant 1 : i32
    %add3A_1 = arith.addi %arg0, %add3A : i32
    %rem3A_2 = arith.constant 2 : i32
    %rem3A_3 = arith.remsi %add3A_1, %rem3A_2 : i32
    %eq3A = arith.constant 0 : i32
    %eq3A_4 = arith.cmpi eq, %arg0, %eq3A : i32
    %convert_element_type3A = arith.extui %eq3A_4 : i1 to i32
    %cond3A = arith.constant 0 : i32
    %cond3A_5 = arith.cmpi ne, %convert_element_type3A, %cond3A : i32
    scf.if %cond3A_5 {
      %dma_start3A = arith.constant 0 : i32
      %dma_start3A_159 = arith.constant 0 : i32
      %dma_start3A_160 = arith.constant 0 : i32
      %dma_start3A_161 = tpu.memref_slice %arg7[%dma_start3A_160] : memref<2x!tpu.dma_semaphore, #tpu.memory_space<semaphore_mem>> -> memref<1x!tpu.dma_semaphore, #tpu.memory_space<semaphore_mem>>
      %dma_start3A_162 = tpu.memref_squeeze %dma_start3A_161 : memref<1x!tpu.dma_semaphore, #tpu.memory_space<semaphore_mem>> -> memref<!tpu.dma_semaphore, #tpu.memory_space<semaphore_mem>>
      %dma_start3A_163 = arith.constant 0 : i32
      %dma_start3A_164 = arith.constant 0 : i32
      %dma_start3A_165 = tpu.memref_slice %arg6[%dma_start3A_159, %dma_start3A_163, %dma_start3A_164] : memref<2x250x512xf32, #tpu.memory_space<vmem>> -> memref<1x250x512xf32, #tpu.memory_space<vmem>>
      %dma_start3A_166 = tpu.memref_squeeze %dma_start3A_165 : memref<1x250x512xf32, #tpu.memory_space<vmem>> -> memref<250x512xf32, #tpu.memory_space<vmem>>
      %dma_start3A_167 = arith.constant 0 : i32
      %dma_start3A_168 = arith.constant 0 : i32
      %dma_start3A_169 = tpu.memref_slice %arg3[%dma_start3A, %dma_start3A_167, %dma_start3A_168] : memref<32x250x512xf32, #tpu.memory_space<any>> -> memref<1x250x512xf32, #tpu.memory_space<any>>
      %dma_start3A_170 = tpu.memref_squeeze %dma_start3A_169 : memref<1x250x512xf32, #tpu.memory_space<any>> -> memref<250x512xf32, #tpu.memory_space<any>>
      tpu.enqueue_dma source(%dma_start3A_170 : memref<250x512xf32, #tpu.memory_space<any>>) target(%dma_start3A_166 : memref<250x512xf32, #tpu.memory_space<vmem>>) target_semaphore(%dma_start3A_162 : memref<!tpu.dma_semaphore, #tpu.memory_space<semaphore_mem>>)
    } else {
    }
    %add3A_6 = arith.constant 1 : i32
    %add3A_7 = arith.addi %arg0, %add3A_6 : i32
    %lt3A = arith.constant 32 : i32
    %lt3A_8 = arith.cmpi slt, %add3A_7, %lt3A : i32
    %convert_element_type3A_9 = arith.extui %lt3A_8 : i1 to i32
    %cond3A_10 = arith.constant 0 : i32
    %cond3A_11 = arith.cmpi ne, %convert_element_type3A_9, %cond3A_10 : i32
    scf.if %cond3A_11 {
      %add3A_159 = arith.constant 1 : i32
      %add3A_160 = arith.addi %arg0, %add3A_159 : i32
      %dma_start3A = tpu.memref_slice %arg7[%rem3A_3] : memref<2x!tpu.dma_semaphore, #tpu.memory_space<semaphore_mem>> -> memref<1x!tpu.dma_semaphore, #tpu.memory_space<semaphore_mem>>
      %dma_start3A_161 = tpu.memref_squeeze %dma_start3A : memref<1x!tpu.dma_semaphore, #tpu.memory_space<semaphore_mem>> -> memref<!tpu.dma_semaphore, #tpu.memory_space<semaphore_mem>>
      %dma_start3A_162 = arith.constant 0 : i32
      %dma_start3A_163 = arith.constant 0 : i32
      %dma_start3A_164 = tpu.memref_slice %arg6[%rem3A_3, %dma_start3A_162, %dma_start3A_163] : memref<2x250x512xf32, #tpu.memory_space<vmem>> -> memref<1x250x512xf32, #tpu.memory_space<vmem>>
      %dma_start3A_165 = tpu.memref_squeeze %dma_start3A_164 : memref<1x250x512xf32, #tpu.memory_space<vmem>> -> memref<250x512xf32, #tpu.memory_space<vmem>>
      %dma_start3A_166 = arith.constant 0 : i32
      %dma_start3A_167 = arith.constant 0 : i32
      %dma_start3A_168 = tpu.memref_slice %arg3[%add3A_160, %dma_start3A_166, %dma_start3A_167] : memref<32x250x512xf32, #tpu.memory_space<any>> -> memref<1x250x512xf32, #tpu.memory_space<any>>
      %dma_start3A_169 = tpu.memref_squeeze %dma_start3A_168 : memref<1x250x512xf32, #tpu.memory_space<any>> -> memref<250x512xf32, #tpu.memory_space<any>>
      tpu.enqueue_dma source(%dma_start3A_169 : memref<250x512xf32, #tpu.memory_space<any>>) target(%dma_start3A_165 : memref<250x512xf32, #tpu.memory_space<vmem>>) target_semaphore(%dma_start3A_161 : memref<!tpu.dma_semaphore, #tpu.memory_space<semaphore_mem>>)
    } else {
    }
    %get3A = arith.constant 0 : index
    %get3A_12 = arith.constant 0 : index
    %get3A_13 = arith.constant 0 : index
    %get3A_14 = vector.load %arg1[%get3A, %get3A_12, %get3A_13] : memref<1x1x512xf32, #tpu.memory_space<vmem>>, vector<1x1x512xf32>
    %get3A_15 = vector.shape_cast %get3A_14 : vector<1x1x512xf32> to vector<1x512xf32>
    %get3A_16 = arith.constant 0 : index
    %get3A_17 = arith.constant 0 : index
    %get3A_18 = arith.constant 0 : index
    %get3A_19 = vector.load %arg2[%get3A_16, %get3A_17, %get3A_18] : memref<1x512x1xf32, #tpu.memory_space<vmem>>, vector<1x512x1xf32>
    %get3A_20 = vector.shape_cast %get3A_19 : vector<1x512x1xf32> to vector<512x1xf32>
    %iota3A = tpu.iota {dimensions = array<i32: 0>} : vector<512x512xi32>
    %iota3A_21 = tpu.iota {dimensions = array<i32: 1>} : vector<512x512xi32>
    %gt3A = vector.broadcast %get3A_15 : vector<1x512xf32> to vector<512x512xf32>
    %gt3A_22 = vector.broadcast %get3A_20 : vector<512x1xf32> to vector<512x512xf32>
    %gt3A_23 = arith.cmpf ogt, %gt3A, %gt3A_22 : vector<512x512xf32>
    %eq3A_24 = vector.broadcast %get3A_15 : vector<1x512xf32> to vector<512x512xf32>
    %eq3A_25 = vector.broadcast %get3A_20 : vector<512x1xf32> to vector<512x512xf32>
    %eq3A_26 = arith.cmpf oeq, %eq3A_24, %eq3A_25 : vector<512x512xf32>
    %lt3A_27 = arith.cmpi slt, %iota3A_21, %iota3A : vector<512x512xi32>
    %and3A = arith.andi %eq3A_26, %lt3A_27 : vector<512x512xi1>
    %or3A = arith.ori %gt3A_23, %and3A : vector<512x512xi1>
    %convert_element_type3A_28 = arith.extui %or3A : vector<512x512xi1> to vector<512x512xi32>
    %reduce_sum3A = arith.constant dense<0> : vector<512xi32>
    %reduce_sum3A_29 = vector.multi_reduction <add>, %convert_element_type3A_28, %reduce_sum3A [1] : vector<512x512xi32> to vector<512xi32>
    %broadcast_in_dim3A = vector.shape_cast %reduce_sum3A_29 : vector<512xi32> to vector<512x1xi32>
    %swap3A = arith.constant 0 : index
    %swap3A_30 = arith.constant 0 : index
    %swap3A_31 = arith.constant 0 : index
    %swap3A_32 = vector.load %arg5[%swap3A, %swap3A_30, %swap3A_31] : memref<1x512x1xi32, #tpu.memory_space<vmem>>, vector<1x512x1xi32>
    %swap3A_33 = vector.shape_cast %swap3A_32 : vector<1x512x1xi32> to vector<512x1xi32>
    %swap3A_34 = vector.shape_cast %broadcast_in_dim3A : vector<512x1xi32> to vector<1x512x1xi32>
    tpu.vector_store %arg5[%swap3A, %swap3A_30, %swap3A_31], %swap3A_34 {strides = array<i32>} : memref<1x512x1xi32, #tpu.memory_space<vmem>>, vector<1x512x1xi32>,
    %eq3A_35 = vector.broadcast %broadcast_in_dim3A : vector<512x1xi32> to vector<512x512xi32>
    %eq3A_36 = arith.cmpi eq, %eq3A_35, %iota3A_21 : vector<512x512xi32>
    %convert_element_type3A_37 = arith.extui %eq3A_36 : vector<512x512xi1> to vector<512x512xi32>
    %convert_element_type3A_38 = arith.sitofp %convert_element_type3A_37 : vector<512x512xi32> to vector<512x512xf32>
    %mul3A = vector.broadcast %get3A_20 : vector<512x1xf32> to vector<512x512xf32>
    %mul3A_39 = arith.mulf %convert_element_type3A_38, %mul3A : vector<512x512xf32>
    %reduce_sum3A_40 = arith.constant dense<0.000000e+00> : vector<512xf32>
    %reduce_sum3A_41 = vector.multi_reduction <add>, %mul3A_39, %reduce_sum3A_40 [0] : vector<512x512xf32> to vector<512xf32>
    %broadcast_in_dim3A_42 = vector.shape_cast %reduce_sum3A_41 : vector<512xf32> to vector<1x512xf32>
    %dma_wait3A = tpu.memref_slice %arg7[%rem3A_0] : memref<2x!tpu.dma_semaphore, #tpu.memory_space<semaphore_mem>> -> memref<1x!tpu.dma_semaphore, #tpu.memory_space<semaphore_mem>>
    %dma_wait3A_43 = tpu.memref_squeeze %dma_wait3A : memref<1x!tpu.dma_semaphore, #tpu.memory_space<semaphore_mem>> -> memref<!tpu.dma_semaphore, #tpu.memory_space<semaphore_mem>>
    %dma_wait3A_44 = arith.constant 0 : i32
    %dma_wait3A_45 = arith.constant 0 : i32
    %dma_wait3A_46 = tpu.memref_slice %arg6[%rem3A_0, %dma_wait3A_44, %dma_wait3A_45] : memref<2x250x512xf32, #tpu.memory_space<vmem>> -> memref<1x250x512xf32, #tpu.memory_space<vmem>>
    %dma_wait3A_47 = tpu.memref_squeeze %dma_wait3A_46 : memref<1x250x512xf32, #tpu.memory_space<vmem>> -> memref<250x512xf32, #tpu.memory_space<vmem>>
    %dma_wait3A_48 = arith.constant 0 : i32
    %dma_wait3A_49 = arith.constant 0 : i32
    %dma_wait3A_50 = tpu.memref_slice %arg3[%arg0, %dma_wait3A_48, %dma_wait3A_49] : memref<32x250x512xf32, #tpu.memory_space<any>> -> memref<1x250x512xf32, #tpu.memory_space<any>>
    %dma_wait3A_51 = tpu.memref_squeeze %dma_wait3A_50 : memref<1x250x512xf32, #tpu.memory_space<any>> -> memref<250x512xf32, #tpu.memory_space<any>>
    tpu.wait_dma2 semaphore(%dma_wait3A_43 : memref<!tpu.dma_semaphore, #tpu.memory_space<semaphore_mem>>) src(%dma_wait3A_51 : memref<250x512xf32, #tpu.memory_space<any>>) dst(%dma_wait3A_47 : memref<250x512xf32, #tpu.memory_space<vmem>>)
    %get3A_52 = arith.index_cast %rem3A_0 : i32 to index
    %get3A_53 = arith.constant 0 : index
    %get3A_54 = arith.constant 0 : index
    %get3A_55 = vector.load %arg6[%get3A_52, %get3A_53, %get3A_54] : memref<2x250x512xf32, #tpu.memory_space<vmem>>, vector<1x250x512xf32>
    %get3A_56 = vector.shape_cast %get3A_55 : vector<1x250x512xf32> to vector<250x512xf32>
    %mul3A_57 = arith.constant 5.000000e-02 : f32
    %mul3A_58 = vector.broadcast %mul3A_57 : f32 to vector<250x512xf32>
    %mul3A_59 = arith.mulf %get3A_56, %mul3A_58 : vector<250x512xf32>
    %add3A_60 = vector.broadcast %broadcast_in_dim3A_42 : vector<1x512xf32> to vector<250x512xf32>
    %add3A_61 = arith.addf %mul3A_59, %add3A_60 : vector<250x512xf32>
    %iota3A_62 = tpu.iota {dimensions = array<i32: 1>} : vector<250x512xi32>
    %convert_element_type3A_63 = arith.sitofp %iota3A_62 : vector<250x512xi32> to vector<250x512xf32>
    %reduce_max3A = arith.constant dense<0xFF800000> : vector<250xf32>
    %reduce_max3A_64 = vector.multi_reduction <maximumf>, %add3A_61, %reduce_max3A [1] : vector<250x512xf32> to vector<250xf32>
    %broadcast_in_dim3A_65 = vector.shape_cast %reduce_max3A_64 : vector<250xf32> to vector<250x1xf32>
    %eq3A_66 = vector.broadcast %broadcast_in_dim3A_65 : vector<250x1xf32> to vector<250x512xf32>
    %eq3A_67 = arith.cmpf oeq, %add3A_61, %eq3A_66 : vector<250x512xf32>
    %convert_element_type3A_68 = arith.extui %eq3A_67 : vector<250x512xi1> to vector<250x512xi32>
    %convert_element_type3A_69 = arith.sitofp %convert_element_type3A_68 : vector<250x512xi32> to vector<250x512xf32>
    %mul3A_70 = arith.mulf %convert_element_type3A_69, %convert_element_type3A_63 : vector<250x512xf32>
    %reduce_sum3A_71 = arith.constant dense<0.000000e+00> : vector<250xf32>
    %reduce_sum3A_72 = vector.multi_reduction <add>, %mul3A_70, %reduce_sum3A_71 [1] : vector<250x512xf32> to vector<250xf32>
    %broadcast_in_dim3A_73 = vector.shape_cast %reduce_sum3A_72 : vector<250xf32> to vector<250x1xf32>
    %convert_element_type3A_74 = arith.fptosi %broadcast_in_dim3A_73 : vector<250x1xf32> to vector<250x1xi32>
    %jit3A = arith.constant 0xFF800000 : f32
    %broadcast_in_dim3A_75 = vector.broadcast %jit3A : f32 to vector<250x512xf32>
    %select_n3A = arith.select %eq3A_67, %broadcast_in_dim3A_75, %add3A_61 : vector<250x512xi1>, vector<250x512xf32>
    %reduce_max3A_76 = arith.constant dense<0xFF800000> : vector<250xf32>
    %reduce_max3A_77 = vector.multi_reduction <maximumf>, %select_n3A, %reduce_max3A_76 [1] : vector<250x512xf32> to vector<250xf32>
    %broadcast_in_dim3A_78 = vector.shape_cast %reduce_max3A_77 : vector<250xf32> to vector<250x1xf32>
    %eq3A_79 = vector.broadcast %broadcast_in_dim3A_78 : vector<250x1xf32> to vector<250x512xf32>
    %eq3A_80 = arith.cmpf oeq, %select_n3A, %eq3A_79 : vector<250x512xf32>
    %convert_element_type3A_81 = arith.extui %eq3A_80 : vector<250x512xi1> to vector<250x512xi32>
    %convert_element_type3A_82 = arith.sitofp %convert_element_type3A_81 : vector<250x512xi32> to vector<250x512xf32>
    %mul3A_83 = arith.mulf %convert_element_type3A_82, %convert_element_type3A_63 : vector<250x512xf32>
    %reduce_sum3A_84 = arith.constant dense<0.000000e+00> : vector<250xf32>
    %reduce_sum3A_85 = vector.multi_reduction <add>, %mul3A_83, %reduce_sum3A_84 [1] : vector<250x512xf32> to vector<250xf32>
    %broadcast_in_dim3A_86 = vector.shape_cast %reduce_sum3A_85 : vector<250xf32> to vector<250x1xf32>
    %convert_element_type3A_87 = arith.fptosi %broadcast_in_dim3A_86 : vector<250x1xf32> to vector<250x1xi32>
    %jit3A_88 = arith.constant 0xFF800000 : f32
    %broadcast_in_dim3A_89 = vector.broadcast %jit3A_88 : f32 to vector<250x512xf32>
    %select_n3A_90 = arith.select %eq3A_80, %broadcast_in_dim3A_89, %select_n3A : vector<250x512xi1>, vector<250x512xf32>
    %reduce_max3A_91 = arith.constant dense<0xFF800000> : vector<250xf32>
    %reduce_max3A_92 = vector.multi_reduction <maximumf>, %select_n3A_90, %reduce_max3A_91 [1] : vector<250x512xf32> to vector<250xf32>
    %broadcast_in_dim3A_93 = vector.shape_cast %reduce_max3A_92 : vector<250xf32> to vector<250x1xf32>
    %eq3A_94 = vector.broadcast %broadcast_in_dim3A_93 : vector<250x1xf32> to vector<250x512xf32>
    %eq3A_95 = arith.cmpf oeq, %select_n3A_90, %eq3A_94 : vector<250x512xf32>
    %convert_element_type3A_96 = arith.extui %eq3A_95 : vector<250x512xi1> to vector<250x512xi32>
    %convert_element_type3A_97 = arith.sitofp %convert_element_type3A_96 : vector<250x512xi32> to vector<250x512xf32>
    %mul3A_98 = arith.mulf %convert_element_type3A_97, %convert_element_type3A_63 : vector<250x512xf32>
    %reduce_sum3A_99 = arith.constant dense<0.000000e+00> : vector<250xf32>
    %reduce_sum3A_100 = vector.multi_reduction <add>, %mul3A_98, %reduce_sum3A_99 [1] : vector<250x512xf32> to vector<250xf32>
    %broadcast_in_dim3A_101 = vector.shape_cast %reduce_sum3A_100 : vector<250xf32> to vector<250x1xf32>
    %convert_element_type3A_102 = arith.fptosi %broadcast_in_dim3A_101 : vector<250x1xf32> to vector<250x1xi32>
    %jit3A_103 = arith.constant 0xFF800000 : f32
    %broadcast_in_dim3A_104 = vector.broadcast %jit3A_103 : f32 to vector<250x512xf32>
    %select_n3A_105 = arith.select %eq3A_95, %broadcast_in_dim3A_104, %select_n3A_90 : vector<250x512xi1>, vector<250x512xf32>
    %reduce_max3A_106 = arith.constant dense<0xFF800000> : vector<250xf32>
    %reduce_max3A_107 = vector.multi_reduction <maximumf>, %select_n3A_105, %reduce_max3A_106 [1] : vector<250x512xf32> to vector<250xf32>
    %broadcast_in_dim3A_108 = vector.shape_cast %reduce_max3A_107 : vector<250xf32> to vector<250x1xf32>
    %eq3A_109 = vector.broadcast %broadcast_in_dim3A_108 : vector<250x1xf32> to vector<250x512xf32>
    %eq3A_110 = arith.cmpf oeq, %select_n3A_105, %eq3A_109 : vector<250x512xf32>
    %convert_element_type3A_111 = arith.extui %eq3A_110 : vector<250x512xi1> to vector<250x512xi32>
    %convert_element_type3A_112 = arith.sitofp %convert_element_type3A_111 : vector<250x512xi32> to vector<250x512xf32>
    %mul3A_113 = arith.mulf %convert_element_type3A_112, %convert_element_type3A_63 : vector<250x512xf32>
    %reduce_sum3A_114 = arith.constant dense<0.000000e+00> : vector<250xf32>
    %reduce_sum3A_115 = vector.multi_reduction <add>, %mul3A_113, %reduce_sum3A_114 [1] : vector<250x512xf32> to vector<250xf32>
    %broadcast_in_dim3A_116 = vector.shape_cast %reduce_sum3A_115 : vector<250xf32> to vector<250x1xf32>
    %convert_element_type3A_117 = arith.fptosi %broadcast_in_dim3A_116 : vector<250x1xf32> to vector<250x1xi32>
    %min3A = arith.minsi %convert_element_type3A_74, %convert_element_type3A_87 : vector<250x1xi32>
    %max3A = arith.maxsi %convert_element_type3A_74, %convert_element_type3A_87 : vector<250x1xi32>
    %min3A_118 = arith.minsi %convert_element_type3A_102, %convert_element_type3A_117 : vector<250x1xi32>
    %max3A_119 = arith.maxsi %convert_element_type3A_102, %convert_element_type3A_117 : vector<250x1xi32>
    %min3A_120 = arith.minsi %min3A, %min3A_118 : vector<250x1xi32>
    %max3A_121 = arith.maxsi %min3A, %min3A_118 : vector<250x1xi32>
    %min3A_122 = arith.minsi %max3A, %max3A_119 : vector<250x1xi32>
    %max3A_123 = arith.maxsi %max3A, %max3A_119 : vector<250x1xi32>
    %min3A_124 = arith.minsi %min3A_122, %max3A_121 : vector<250x1xi32>
    %max3A_125 = arith.maxsi %min3A_122, %max3A_121 : vector<250x1xi32>
    %broadcast_in_dim3A_126 = arith.constant 2048 : i32
    %broadcast_in_dim3A_127 = vector.broadcast %broadcast_in_dim3A_126 : i32 to vector<6x4xi32>
    %mul3A_128 = arith.constant 4 : i32
    %mul3A_129 = vector.broadcast %mul3A_128 : i32 to vector<250x1xi32>
    %mul3A_130 = arith.muli %min3A_120, %mul3A_129 : vector<250x1xi32>
    %add3A_131 = arith.constant 0 : i32
    %add3A_132 = vector.broadcast %add3A_131 : i32 to vector<250x1xi32>
    %add3A_133 = arith.addi %mul3A_130, %add3A_132 : vector<250x1xi32>
    %mul3A_134 = arith.constant 4 : i32
    %mul3A_135 = vector.broadcast %mul3A_134 : i32 to vector<250x1xi32>
    %mul3A_136 = arith.muli %min3A_124, %mul3A_135 : vector<250x1xi32>
    %add3A_137 = arith.constant 1 : i32
    %add3A_138 = vector.broadcast %add3A_137 : i32 to vector<250x1xi32>
    %add3A_139 = arith.addi %mul3A_136, %add3A_138 : vector<250x1xi32>
    %mul3A_140 = arith.constant 4 : i32
    %mul3A_141 = vector.broadcast %mul3A_140 : i32 to vector<250x1xi32>
    %mul3A_142 = arith.muli %max3A_125, %mul3A_141 : vector<250x1xi32>
    %add3A_143 = arith.constant 2 : i32
    %add3A_144 = vector.broadcast %add3A_143 : i32 to vector<250x1xi32>
    %add3A_145 = arith.addi %mul3A_142, %add3A_144 : vector<250x1xi32>
    %mul3A_146 = arith.constant 4 : i32
    %mul3A_147 = vector.broadcast %mul3A_146 : i32 to vector<250x1xi32>
    %mul3A_148 = arith.muli %max3A_123, %mul3A_147 : vector<250x1xi32>
    %add3A_149 = arith.constant 3 : i32
    %add3A_150 = vector.broadcast %add3A_149 : i32 to vector<250x1xi32>
    %add3A_151 = arith.addi %mul3A_148, %add3A_150 : vector<250x1xi32>
    %concatenate3A = tpu.concatenate %add3A_133, %add3A_139, %add3A_145, %add3A_151 in 1 : vector<250x1xi32>, vector<250x1xi32>, vector<250x1xi32>, vector<250x1xi32> -> vector<250x4xi32>
    %concatenate3A_152 = tpu.concatenate %concatenate3A, %broadcast_in_dim3A_127 in 0 : vector<250x4xi32>, vector<6x4xi32> -> vector<256x4xi32>
    %swap3A_153 = arith.constant 0 : index
    %swap3A_154 = arith.constant 0 : index
    %swap3A_155 = arith.constant 0 : index
    %swap3A_156 = vector.load %arg4[%swap3A_153, %swap3A_154, %swap3A_155] : memref<1x256x4xi32, #tpu.memory_space<vmem>>, vector<1x256x4xi32>
    %swap3A_157 = vector.shape_cast %swap3A_156 : vector<1x256x4xi32> to vector<256x4xi32>
    %swap3A_158 = vector.shape_cast %concatenate3A_152 : vector<256x4xi32> to vector<1x256x4xi32>
    tpu.vector_store %arg4[%swap3A_153, %swap3A_154, %swap3A_155], %swap3A_158 {strides = array<i32>} : memref<1x256x4xi32, #tpu.memory_space<vmem>>, vector<1x256x4xi32>,
    return
  }
  func.func @transform_0(%arg0: i32) -> (i32, i32, i32) {
    %c0_i32 = arith.constant 0 : i32
    %c0_i32_0 = arith.constant 0 : i32
    %c0_i32_1 = arith.constant 0 : i32
    return %arg0, %c0_i32, %c0_i32_0 : i32, i32, i32
  }
  func.func @transform_1(%arg0: i32) -> (i32, i32, i32) {
    %c0_i32 = arith.constant 0 : i32
    %c0_i32_0 = arith.constant 0 : i32
    %c0_i32_1 = arith.constant 0 : i32
    return %arg0, %c0_i32, %c0_i32_0 : i32, i32, i32
  }
  func.func @transform_3(%arg0: i32) -> (i32, i32, i32) {
    %c0_i32 = arith.constant 0 : i32
    %c0_i32_0 = arith.constant 0 : i32
    %c0_i32_1 = arith.constant 0 : i32
    return %arg0, %c0_i32, %c0_i32_0 : i32, i32, i32
  }
  func.func @transform_4(%arg0: i32) -> (i32, i32, i32) {
    %c0_i32 = arith.constant 0 : i32
    %c0_i32_0 = arith.constant 0 : i32
    %c0_i32_1 = arith.constant 0 : i32
    return %arg0, %c0_i32, %c0_i32_0 : i32, i32, i32
  }
}

</mosaic_0001>

<sc_bundles>
// kernel: kernel.4.cloned.1.call-start
scs
__scs_entry_jumppad:
0x0: {  	(pc) =	sbr.rel $0x88, $3  }
0x1: {  	(tag) =	ssettag $0x0;
	lr =	simm.s32 $0x1  }
0x2: {  	[smem:$0x3F9F] =	sst lr;
	_ =	strace $0xD0000000  }
0x3: {  	_ = 	snop  }
0x4: {  	_ = 	snop  }
0x5: {  	_ = 	snop  }
0x6: {  	_ = 	snop  }
0x7: {  	_ = 	snop  }
__scs_overlays_trampoline_lowered:
0x8: {  	[smem:$0x3FAE] =	sst s0  }
0x9: {  	[smem:$0x3FAF] =	sst s1  }
0xa: {  	[smem:$0x3FB0] =	sst s2  }
0xb: {  	[smem:$0x3FB1] =	sst s3  }
0xc: {  	[smem:$0x3FB2] =	sst s4  }
0xd: {  	[smem:$0x3FB3] =	sst s5  }
0xe: {  	[smem:$0x3FB4] =	sst s6  }
0xf: {  	[smem:$0x3FB5] =	sst s7  }
0x10: {  	[smem:$0x3FB6] =	sst s8  }
0x11: {  	[smem:$0x3FB7] =	sst s9;
	s0 =	simm.s32 @!p0 $0x0  }
0x12: {  	s1 =	sld [smem:$0x3F9D];
	s0 =	simm.s32 @p0 $0x1  }
0x13: {  	[smem:$0x3FB8] =	sst s0;
	s0 =	simm.s32 @!p1 $0x0  }
0x14: {  	s2 =	sld [smem:$0x3F9C];
	s0 =	simm.s32 @p1 $0x1  }
0x15: {  	[smem:$0x3FB9] =	sst s0;
	s0 =	simm.s32 @!p2 $0x0  }
0x16: {  	s3 =	sld [smem:$0x3FDB];
	s0 =	simm.s32 @p2 $0x1  }
0x17: {  	s4 =	simm.s32 $0x1BF5;
	[smem:$0x3FBB] =	sst s0  }
0x18: {  	s0 =	sld [smem:$0x3F9E];
	_ =	swait.ge [sflag:s4], $0x0  }
0x19: {  	s7 =	sld [smem:$0x3F9F]  }
0x1a: {  	s8 =	sadd.s32 $0xFFFFE003, lr  }
0x1b: {  	s9 =	sadd.s32 $0xFFFFFEF7, lr;
	s5 =	simm.s32 $0xFFFFFFFF;
	p2 =	slt.u32 s8, $0xFFFFF086  }
0x1c: {  	p1 =	slt.u32 s9, $0xF7A;
	s5 =	simm.s32 @!p2 $0x0  }
0x1d: {  	s5 =	simm.s32 @p1 $0x1;
	p0 =	seq.s32 s7, s2  }
0x1e: {  	s7 =	smul.u32 @!p0 $0xF7A, s2;
	p2 =	seq.s32 @!p0 s5, $0x0  }
0x1f: {  	s9 =	smul.u32 $0xF7A, s1;
	s8 =	simm.s32 @!p0 $0x1BF5;
	p2 =	por !p2, p0  }
0x20: {  	[sflag:s8] =	ssyncset.s32 @!p0 $0xFFFFF086;
	s6 =	sadd.s32 @!p0 s3, s7;
	s7 =	simm.s32 @!p0 $0x108  }
0x21: {  	s3 =	sadd.s32 s3, s9;
	s6 =	sadd.s32 @!p0 $0x88, s6;
	s7 =	simm.s32 @p2 $0x1082  }
0x22: {  	[simem:s7], [sflag:s8] =	dma.local @!p0 [hbm:s6], $0xF7A  }
0x23: {  	s9 =	sor.u32 $0xD0000000, s2;
	s6 =	simm.s32 $0x108;
	_ =	swait.ge @!p0 [sflag:s8], $0x0  }
0x24: {  	s3 =	sadd.s32 $0x88, s3;
	s6 =	simm.s32 @!p1 $0x1082;
	[sflag:s4] =	ssyncset.s32 $0xFFFFF086  }
0x25: {  	[simem:s6], [sflag:s4] =	dma.local [hbm:s3], $0xF7A  }
0x26: {  	[smem:$0x3F9F] =	sst s1;
	(tag) =	ssettag s2;
	_ =	strace s9  }
0x27: {  	s1 =	sld [smem:$0x3FAF]  }
0x28: {  	s2 =	sld [smem:$0x3FB0]  }
0x29: {  	s4 =	sld [smem:$0x3FB2]  }
0x2a: {  	p0 =	seq.s32 s5, $0x0;
	s5 =	sld [smem:$0x3FB3]  }
0x2b: {  	s6 =	sld [smem:$0x3FB4]  }
0x2c: {  	s7 =	sld [smem:$0x3FB5]  }
0x2d: {  	s3 =	simm.s32 $0x108;
	s8 =	sld [smem:$0x3FB6]  }
0x2e: {  	s3 =	simm.s32 @!p0 $0x1082;
	s9 =	sld [smem:$0x3FB7]  }
0x2f: {  	lr =	sadd.s32 s0, s3;
	s0 =	sld [smem:$0x3FAE]  }
0x30: {  	s3 =	sld [smem:$0x3FB1]  }
0x31: {  	[smem:$0x3FBA] =	sst s10  }
0x32: {  	s10 =	sld [smem:$0x3FB8];
	_ =	sdelay $0x3  }
0x33: {  	p0 =	seq.s32 s10, $0x1;
	s10 =	sld [smem:$0x3FBA];
	_ =	sdelay $0x3  }
0x34: {  	[smem:$0x3FBA] =	sst s10  }
0x35: {  	s10 =	sld [smem:$0x3FB9];
	_ =	sdelay $0x3  }
0x36: {  	p1 =	seq.s32 s10, $0x1;
	s10 =	sld [smem:$0x3FBA];
	_ =	sdelay $0x3  }
0x37: {  	[smem:$0x3FBA] =	sst s10  }
0x38: {  	s10 =	sld [smem:$0x3FBB]  }
0x39: {  	_ = 	snop;
	(pc) =	sbr.ind lr, $3  }
0x3a: {  	_ = 	snop  }
0x3b: {  	_ = 	snop  }
0x3c: {  	p2 =	seq.s32 s10, $0x1;
	s10 =	sld [smem:$0x3FBA]  }
0x3d: {  	_ =	shalt  }
0x3e: {  	_ =	shalt  }
0x3f: {  	_ =	shalt  }
0x40: {  	_ =	shalt  }
0x41: {  	_ =	shalt  }
0x42: {  	_ =	shalt  }
0x43: {  	_ =	shalt  }
0x44: {  	_ =	shalt  }
0x45: {  	_ =	shalt  }
0x46: {  	_ =	shalt  }
0x47: {  	_ =	shalt  }
0x48: {  	_ =	shalt  }
0x49: {  	_ =	shalt  }
0x4a: {  	_ =	shalt  }
0x4b: {  	_ =	shalt  }
0x4c: {  	_ =	shalt  }
0x4d: {  	_ =	shalt  }
0x4e: {  	_ =	shalt  }
0x4f: {  	_ =	shalt  }
0x50: {  	_ =	shalt  }
0x51: {  	_ =	shalt  }
0x52: {  	_ =	shalt  }
0x53: {  	_ =	shalt  }
0x54: {  	_ =	shalt  }
0x55: {  	_ =	shalt  }
0x56: {  	_ =	shalt  }
0x57: {  	_ =	shalt  }
0x58: {  	_ =	shalt  }
0x59: {  	_ =	shalt  }
0x5a: {  	_ =	shalt  }
0x5b: {  	_ =	shalt  }
0x5c: {  	_ =	shalt  }
0x5d: {  	_ =	shalt  }
0x5e: {  	_ =	shalt  }
0x5f: {  	_ =	shalt  }
0x60: {  	_ =	shalt  }
0x61: {  	_ =	shalt  }
0x62: {  	_ =	shalt  }
0x63: {  	_ =	shalt  }
0x64: {  	_ =	shalt  }
0x65: {  	_ =	shalt  }
0x66: {  	_ =	shalt  }
0x67: {  	_ =	shalt  }
0x68: {  	_ =	shalt  }
0x69: {  	_ =	shalt  }
0x6a: {  	_ =	shalt  }
0x6b: {  	_ =	shalt  }
0x6c: {  	_ =	shalt  }
0x6d: {  	_ =	shalt  }
0x6e: {  	_ =	shalt  }
0x6f: {  	_ =	shalt  }
0x70: {  	_ =	shalt  }
0x71: {  	_ =	shalt  }
0x72: {  	_ =	shalt  }
0x73: {  	_ =	shalt  }
0x74: {  	_ =	shalt  }
0x75: {  	_ =	shalt  }
0x76: {  	_ =	shalt  }
0x77: {  	_ =	shalt  }
0x78: {  	_ =	shalt  }
0x79: {  	_ =	shalt  }
0x7a: {  	_ =	shalt  }
0x7b: {  	_ =	shalt  }
0x7c: {  	_ =	shalt  }
0x7d: {  	_ =	shalt  }
0x7e: {  	_ =	shalt  }
0x7f: {  	_ =	shalt  }
0x80: {  	_ =	shalt  }
0x81: {  	_ =	shalt  }
0x82: {  	_ =	shalt  }
0x83: {  	_ =	shalt  }
0x84: {  	_ =	shalt  }
0x85: {  	_ =	shalt  }
0x86: {  	_ =	shalt  }
0x87: {  	_ =	shalt  }
.Lfunc_end0:
.L_simem_size_0:
called_computation_lowered:
.L_overlay_start_0:
0x88: {  	s2 =	sld [smem:$0x3FD9]  }
0x89: {  	s3 =	sld [smem:$0x3FFE];
	_ =	sdelay $0x1  }
0x8a: {  	s1 =	srdreg.scid  }
0x8b: {  	s0 =	sand.u32 $0x1, s1  }
0x8c: {  	s17 =	sshll.u32 s0, $0xA;
	s2 =	sadd.s32 s3, s2  }
0x8d: {  	s2 =	sadd.s32 s2, s17  }
0x8e: {  	[smem:$0x3FC6] =	sst s2  }
0x8f: {  	_ = 	snop  }
0x90: {  	s2 =	sld [smem:$0x3FD0];
	(tm) =	ssettm $0x1  }
0x91: {  	s18 =	sld [smem:$0x3FFB];
	_ =	sdelay $0x3  }
0x92: {  	_ =	strace s18  }
0x93: {  	s3 =	sld [smem:$0x3FFC];
	_ =	sdelay $0x3  }
0x94: {  	_ =	strace s3  }
0x95: {  	s3 =	sld [smem:$0x3FFD];
	_ =	sdelay $0x3  }
0x96: {  	_ =	strace s3  }
0x97: {  	_ =	strace $0x8FFFFFFF  }
0x98: {  	s19 =	sld [smem:$0x3FDB];
	_ =	sdelay $0x1  }
0x99: {  	s4 =	simm.s32 $_scs_section_size  }
0x9a: {  	s5 =	simm.s32 $_size__tile_overlayer_lowered;
	s6 =	simm.s32 $_tile_overlayer_lowered  }
0x9b: {  	s22 =	simm.s32 $0x1BFF;
	s21 =	sshll.u32 s6, $0x1;
	s3 =	sadd.s32 s4, s19  }
0x9c: {  	s7 =	simm.s32 $0x0;
	s20 =	sshll.u32 s5, $0x1;
	s5 =	sadd.s32 s21, s3  }
0x9d: {  	[timem:s7], [sflag:s22] =	dma.local [hbm:s5], s20  }
0x9e: {  	_ =	swait.ge [sflag:s22], s20  }
0x9f: {  	s4 =	ssub.s32 $0x0, s20;
	[sflag:s22] =	ssyncset.done $0x0  }
0xa0: {  	[sflag:s22] =	ssyncadd.s32 s4;
	_ =	sdelay $0x1  }
0xa1: {  	s23 =	simm.s32 $0x1B8B  }
0xa2: {  	_ =	swait.ge [sflag:s23], $0x1  }
0xa3: {  	[sflag:s23] =	ssyncset.done $0x0  }
0xa4: {  	s25 =	simm.s32 $0x1B8E;
	s24 =	sld [smem:$0x3FFE];
	[sflag:s23] =	ssyncadd.s32 $0xFFFFFFFF  }
0xa5: {  	s26 =	simm.s32 $execute0_lowered;
	[smem:$0x3FD2] =	sst s25  }
0xa6: {  	s5 =	sshll.u32 s26, $0x1;
	_ =	strace $0x80000046;
	[dreg:$0x1] =	wrdreg $0xFFFFFFFF  }
0xa7: {  	s28 =	simm.s32 $_size_execute0_lowered;
	s3 =	sadd.s32 s3, s5;
	[dreg:$0x0] =	wrdreg $0x0  }
0xa8: {  	s5 =	sshll.u32 s28, $0x1;
	[dreg:$0x2] =	wrdreg s3  }
0xa9: {  	[dreg:$0x3] =	wrdreg s5  }
0xaa: {  	[dreg:$0x4] =	wrdreg $0xC0  }
0xab: {  	_ =	task [dreg:s7], $0x5FFFF  }
0xac: {  	[dreg:$0x1] =	wrdreg $0xFFFFFFFF  }
0xad: {  	[dreg:$0x0] =	wrdreg $0x60  }
0xae: {  	[dreg:$0x2] =	wrdreg s24  }
0xaf: {  	[dreg:$0x3] =	wrdreg s2  }
0xb0: {  	[dreg:$0x4] =	wrdreg $0x9  }
0xb1: {  	_ =	task.clear_ibuf [dreg:s7], $0x5FFFF;
	_ =	strace $0x90000046  }
0xb2: {  	s29 =	simm.s32 $0x9;
	_ =	strace $0x80000048  }
0xb3: {  	_ =	swait.ge [sflag:s29], $0x1  }
0xb4: {  	[sflag:s29] =	ssyncadd.s32 $0xFFFFFFFF  }
0xb5: {  	_ =	strace $0x90000048  }
0xb6: {  	_ =	sfence  }
0xb7: {  	s30 =	sld [smem:$0x0];
	_ =	sdelay $0x2  }
0xb8: {  	s31 =	sshll.u32 s1, $0xD;
	s1 =	sshrl.u32 s1, $0x2  }
0xb9: {  	s3 =	sand.u32 $0x4000, s31;
	s1 =	sadd.s32 s1, s30  }
0xba: {  	s0 =	sor.u32 s3, s0;
	s1 =	sshll.u32 s1, $0x11  }
0xbb: {  	s0 =	sor.u32 s1, s0  }
0xbc: {  	s0 =	sadd.s32 $0x8F2B, s0  }
0xbd: {  	[sflag:s0] =	ssyncadd.remote.s32 $0x1  }
0xbe: {  	_ =	sfence.sel $0xFFFF  }
0xbf: {  	[dreg:$0x0] =	wrdreg $0xFFFFFFFF;
	(pc) =	sbr.abs _section_cstart, $3  }
0xc0: {  	[dreg:$0x1] =	wrdreg $0xFFFFFFFF  }
0xc1: {  	_ =	task.clear_ibuf [dreg:s7], $0x2FFFF;
	_ =	strace $0x9FFFFFFF  }
0xc2: {  	(tm) =	ssettm $0x7FFFFFFF  }
0xc3: {  	_ =	shalt  }
tec
execute0_lowered:
.L_overlay_start_1:
0x0: {  	(tag) =	ssettag $0x1  }
0x1: {  	s1 =	srdreg.scid;
	s3 =	rddreg [dreg:$0x0]  }
0x2: {  	s0 =	stileid.u32;
	s6 =	rddreg [dreg:$0x1];
	s10 =	simm.s32 $0x600  }
0x3: {  	s11 =	simm.s32 $0xE80;
	s12 =	simm.s32 $0x0;
	s4 =	sand.u32 $0x1, s1  }
0x4: {  	s29 =	sshll.u32 s0, $0x8;
	s5 =	sshrl.u32 s0, $0x2;
	s2 =	sshll.u32 s4, $0x7  }
0x5: {  	s1 =	sand.u32 $0x300, s29;
	s8 =	sshll.u32 s5, $0xD;
	s9 =	sshll.u32 s5, $0xC  }
0x6: {  	s4 =	ssub.s32 $0x2, s4;
	s5 =	sshll.u32 s5, $0xE;
	s7 =	sor.u32 s2, s1  }
0x7: {  	s1 =	rddreg [dreg:$0x2];
	s2 =	simm.s32 $0x0;
	s30 =	sshrl.u32 s4, $0x1  }
0x8: {  	s8 =	sor.u32 s8, s7;
	[smem:$0x7FF] =	sst s2;
	s9 =	sor.u32 s9, s7  }
0x9: {  	s5 =	sor.u32 s5, s7;
	s31 =	ssub.s32 s4, s30;
	s7 =	simm.s32 $0x80  }
0xa: {  	s8 =	sshrl.u32 s8, $0x3;
	_ =	strace $0x80000047;
	s9 =	sshrl.u32 s9, $0x3  }
0xb: {  	s5 =	sshrl.u32 s5, $0x3;
	s8 =	sadd.s32 s8, s3;
	s9 =	sadd.s32 s9, s3  }
0xc: {  	v0 =	vimm.f32 $0.0e+00;
	v3 =	vlaneseq.u32;
	s5 =	sadd.s32 s6, s5;
	s6 =	smax.u32 s31, $0x1;
	s3 =	sadd.s32 $0x200, s8  }
0xd: {  	v1 =	vimm.f32 $1.000000000e+00;
	v2 =	vshrl.u32 v3, $0x2;
	v3 =	vand.u32 $0x3, v3;
	s4 =	sadd.s32 $0x1200, s9;
	s8 =	simm.s32 $0x400;
	s9 =	simm.s32 $0x1  }
.LBB2_1:
0xe: {  	[tilespmem:s2], [sflag:$0x1] =	stream.strided.gather [hbm4b:s3+s7], $0x400, s8, s7, $0x38;
	[tilespmem:$0x1680] =	vst v63  }
0xf: {  	_ =	swait.ge [sflag:s9], $0x400  }
0x10: {  	[sflag:s9] =	ssyncset.done $0x0  }
0x11: {  	[sflag:s9] =	ssyncadd.s32 $0xFFFFFC00  }
0x12: {  	[tilespmem:s8], [sflag:$0x1] =	stream.strided.gather [hbm4b:s4+s7], $0x200, s8, s7, $0x38;
	[tilespmem:$0x1680] =	vst v63  }
0x13: {  	_ =	swait.ge [sflag:s9], $0x200  }
0x14: {  	[sflag:s9] =	ssyncset.done $0x0  }
0x15: {  	s13 =	simm.s32 $0x40;
	s14 =	simm.s32 $0x0;
	[sflag:s9] =	ssyncadd.s32 $0xFFFFFE00  }
.LBB2_2:
0x16: {  	p0 =	sne.s32 s13, $0x2000;
	[tilespmem:s14+$0x600] =	vst v0;
	s14 =	smov.u32 s13;
	s13 =	sadd.s32 $0x40, s13  }
.Ltmp0:
0x17: {  	(pc) =	sbr.rel @p0 .LBB2_2-.Ltmp0, $2  }
0x18: {  	_ =	sdelay $0x2  }
0x19: {  	s14 =	sshra.s32 s14, $0x2  }
0x1a: {  	[tilespmem:s14+$0x600] =	vst v0;
	s13 =	simm.s32 $0x0;
	s14 =	simm.s32 $0x0  }
.LBB2_4:
0x1b: {  	s15 =	sshra.s32 s14, $0x2  }
0x1c: {  	v4 =	vld [tilespmem:s15+$0x0];
	_ =	sdelay $0x2  }
0x1d: {  	p0 =	sne.s32 s14, $0xFC0  }
.Ltmp1:
0x1e: {  	_ = 	snop;
	(pc) =	sbr.rel @p0 .LBB2_4-.Ltmp1, $2  }
0x1f: {  	_ =	sdelay $0x2  }
0x20: {  	s14 =	sadd.s32 $0x40, s14;
	[tilespmem:v4+s10+$0x0] =	vst.idx.add.f32.msk $0xffff, v1  }
0x21: {  	v4 =	vor.u32 s13, v2;
	_ =	sdelay $0x4  }
0x22: {  	v4 =	vld.idx.msk [tilespmem:v4+s8+$0x0], $0xffff;
	_ =	sdelay $0x4  }
0x23: {  	v4 =	vshll.u32 v4, $0x2  }
0x24: {  	v4 =	vor.u32 v3, v4;
	_ =	sdelay $0x4  }
0x25: {  	v4 =	vld.idx.msk [tilespmem:v4+s10+$0x0], $0xffff;
	_ =	sdelay $0x1  }
0x26: {  	s31 =	simm.s32 $0x4  }
0x27: {  	v5 =	vor.u32 s31, v2;
	_ =	sdelay $0x1  }
0x28: {  	v4 =	vmul.f32 $4.000000190e-03, v4  }
0x29: {  	s13 =	simm.s32 $0xE80  }
0x2a: {  	[tilespmem:s13+$0x0] =	vst v4  }
0x2b: {  	v4 =	vld.idx.msk [tilespmem:v5+s8+$0x0], $0xffff;
	_ =	sdelay $0x4  }
0x2c: {  	v4 =	vshll.u32 v4, $0x2  }
0x2d: {  	v4 =	vor.u32 v3, v4;
	_ =	sdelay $0x4  }
0x2e: {  	v5 =	vld.idx.msk [tilespmem:v4+s10+$0x0], $0xffff;
	_ =	sdelay $0x1  }
0x2f: {  	s14 =	simm.s32 $0x8  }
0x30: {  	v4 =	vor.u32 s14, v2;
	s14 =	simm.s32 $0xC  }
.LBB2_6:
0x31: {  	p0 =	sne.s32 s14, $0x1FC  }
0x32: {  	v5 =	vmul.f32 $4.000000190e-03, v5  }
0x33: {  	s13 =	sadd.s32 $0x10, s13  }
0x34: {  	[tilespmem:s13+$0x0] =	vst v5  }
0x35: {  	v4 =	vld.idx.msk [tilespmem:v4+s8+$0x0], $0xffff;
	_ =	sdelay $0x5  }
0x36: {  	v4 =	vshll.u32 v4, $0x2  }
0x37: {  	v4 =	vor.u32 v3, v4;
	_ =	sdelay $0x4  }
.Ltmp2:
0x38: {  	v5 =	vld.idx.msk [tilespmem:v4+s10+$0x0], $0xffff;
	(pc) =	sbr.rel @p0 .LBB2_6-.Ltmp2, $2  }
0x39: {  	_ =	sdelay $0x2  }
0x3a: {  	v4 =	vor.u32 s14, v2;
	s14 =	sadd.s32 $0x4, s14  }
0x3b: {  	_ = 	snop  }
0x3c: {  	v5 =	vmul.f32 $4.000000190e-03, v5  }
0x3d: {  	s13 =	sadd.s32 $0x10, s13  }
0x3e: {  	[tilespmem:s13+$0x0] =	vst v5  }
0x3f: {  	v4 =	vld.idx.msk [tilespmem:v4+s8+$0x0], $0xffff;
	_ =	sdelay $0x4  }
0x40: {  	v4 =	vshll.u32 v4, $0x2  }
0x41: {  	v4 =	vor.u32 v3, v4;
	_ =	sdelay $0x4  }
0x42: {  	v4 =	vld.idx.msk [tilespmem:v4+s10+$0x0], $0xffff;
	_ =	sdelay $0x4  }
0x43: {  	s12 =	sadd.s32 $0x1, s12;
	v4 =	vmul.f32 $4.000000190e-03, v4  }
0x44: {  	p0 =	sne.s32 s12, s6;
	s13 =	sadd.s32 $0x10, s13  }
.Ltmp3:
0x45: {  	[tilespmem:s13+$0x0] =	vst v4;
	(pc) =	sbr.rel @p0 .LBB2_1-.Ltmp3, $4  }
0x46: {  	[hbm4b:s5+s7] =	stream.strided.scatter [tilespmem:s11], [sflag:$0x1], $0x800, s8, s7, $0x38;
	[tilespmem:$0x1680] =	vst v63  }
0x47: {  	_ =	swait.ge [sflag:s9], $0x800  }
0x48: {  	[sflag:s9] =	ssyncset.done $0x0  }
0x49: {  	[sflag:s9] =	ssyncadd.s32 $0xFFFFF800  }
0x4a: {  	_ =	sfence.sel $0x180000  }
0x4b: {  	[bflag:$0x0] =	sbarrier.arrive $0xFFFF  }
0x4c: {  	p0 =	sne.s32 s0, $0x0;
	_ =	strace $0x90000047  }
0x4d: {  	s0 =	sadd.s32 @!p0 $0x100000, s1;
	[bflag:$0x2] =	sbarrier.arrive $0xFFFF  }
0x4e: {  	[sflag:s0] =	ssyncadd.tile.s32 @!p0 $0x1;
	_ =	shalt  }
.Lfunc_end2:
_tile_overlayer_lowered:
.L_overlay_start_2:
0x4f: {  	(tag) =	ssettag $0x2  }
0x50: {  	s0 =	rddreg [dreg:$0x0];
	s2 =	stileid.u32  }
0x51: {  	s1 =	rddreg [dreg:$0x1];
	p0 =	sne.s32 s2, $0x0  }
0x52: {  	s3 =	rddreg [dreg:$0x2];
	[bflag:$0x3] =	sbarrier.arrive $0xFFFF;
	s2 =	simm.s32 @!p0 $0x1C01  }
0x53: {  	[timem:s3], [sflag:s2] =	dma.local @!p0 [hbm:s0], s1  }
0x54: {  	s0 =	simm.s32 @!p0 $0x1  }
0x55: {  	_ =	swait.ge @!p0 [sflag:s0], s1  }
0x56: {  	s1 =	ssub.s32 @!p0 $0x0, s1;
	[sflag:s0] =	ssyncset.done @!p0 $0x0  }
0x57: {  	[sflag:s0] =	ssyncadd.s32 @!p0 s1  }
0x58: {  	[bflag:$0x3] =	sbarrier.arrive $0xFFFF  }
0x59: {  	_ =	shalt  }

</sc_bundles>
